<compile_context>
chip_gen: v7x
topology: tpu7x:2x2x1
jax: 0.10.2.dev20260603
libtpu: 0.0.44.dev20260713+nightly
codegen_flags: <defaults>
</compile_context>

<pallas_src>
import functools

import jax
import jax.numpy as jnp
from jax import lax
from jax.experimental import pallas as pl
from jax.experimental.pallas import tpu as pltpu
from jax.experimental.pallas import tpu_sc as plsc

_NUM_CORES = 2
_NUM_SUBCORES = 16
_NUM_WORKERS = _NUM_CORES * _NUM_SUBCORES
_NBUF = 2


@functools.lru_cache(maxsize=None)
def _make_gather(batch, hist, vocab, dim, nr):
    rows_per_w = batch // _NUM_WORKERS
    n_chunks = rows_per_w // nr
    n_groups = n_chunks // _NBUF
    mesh = plsc.VectorSubcoreMesh(core_axis_name="c", subcore_axis_name="s")

    scratch = (
        [pltpu.VMEM((nr, hist), jnp.int32) for _ in range(_NBUF)]
        + [pltpu.VMEM((nr, hist, dim), jnp.float32) for _ in range(_NBUF)]
        + [pltpu.SemaphoreType.DMA for _ in range(3 * _NBUF)]
    )

    @functools.partial(
        pl.kernel,
        mesh=mesh,
        out_type=jax.ShapeDtypeStruct((batch, hist, 2 * dim), jnp.float32),
        scratch_types=scratch,
        compiler_params=pltpu.CompilerParams(use_tc_tiling_on_sc=False),
    )
    def gather_kernel(idx_hbm, table_hbm, out_hbm, *bufs):
        idx_bufs = bufs[0:_NBUF]
        row_bufs = bufs[_NBUF : 2 * _NBUF]
        idx_sems = bufs[2 * _NBUF : 3 * _NBUF]
        g_sems = bufs[3 * _NBUF : 4 * _NBUF]
        out_sems = bufs[4 * _NBUF : 5 * _NBUF]

        wid = lax.axis_index("s") * _NUM_CORES + lax.axis_index("c")
        base = wid * rows_per_w

        def start_idx(ci, b):
            pltpu.async_copy(
                idx_hbm.at[pl.ds(base + ci * nr, nr)], idx_bufs[b], idx_sems[b]
            )

        def wait_idx(b):
            pltpu.make_async_copy(
                idx_hbm.at[pl.ds(0, nr)], idx_bufs[b], idx_sems[b]
            ).wait()

        def start_gathers(b):
            for i in range(nr):
                pltpu.async_copy(
                    table_hbm.at[idx_bufs[b].at[i]], row_bufs[b].at[i], g_sems[b]
                )

        def wait_gathers(b):
            pltpu.make_async_copy(
                out_hbm.at[pl.ds(0, nr)], row_bufs[b], g_sems[b]
            ).wait()

        def start_out(ci, b):
            pltpu.async_copy(
                row_bufs[b],
                out_hbm.at[pl.ds(base + ci * nr, nr), :, pl.ds(0, dim)],
                out_sems[b],
            )

        def wait_out(b):
            pltpu.make_async_copy(
                row_bufs[b], out_hbm.at[pl.ds(0, nr), :, pl.ds(0, dim)], out_sems[b]
            ).wait()

        for b in range(_NBUF):
            start_idx(b, b)

        def outer(g, carry):
            for b in range(_NBUF):
                ci = g * _NBUF + b
                @pl.when(g > 0)
                def _():
                    wait_out(b)

                wait_idx(b)
                start_gathers(b)
                wait_gathers(b)
                start_out(ci, b)

                @pl.when(g < n_groups - 1)
                def _():
                    start_idx(ci + _NBUF, b)

            return carry

        lax.fori_loop(0, n_groups, outer, 0, unroll=False)

        for b in range(_NBUF):
            wait_out(b)

    return gather_kernel


def kernel(input_ids, table):
    batch, hist = input_ids.shape
    vocab, dim = table.shape
    ids = input_ids.astype(jnp.int32)
    out_wide = _make_gather(batch, hist, vocab, dim, 4)(ids, table)
    return out_wide[:, :, :dim]

# --- scband reference (transcript-rebuilt; emitter-appended) ---
"""Pipeline reference for scband-fast-text-embedding-55448027791381 (READ-ONLY COPY).

The authoritative reference and input builder live on the scoring server;
editing this copy changes nothing except your own understanding.
"""

import jax, jax.numpy as jnp
import numpy as np

VOCAB = 1000000
EMBED_DIM = 64
BATCH = 16384
HIST = 200

def setup_inputs(seed: int = 0) -> dict:
    key = jax.random.key(seed)
    k1, k2 = jax.random.split(key)
    input_ids = jax.random.randint(k1, (BATCH, HIST), 0, VOCAB, dtype=jnp.int64 if jax.config.jax_enable_x64 else jnp.int32)
    # embedding table initialized like the torch module (uniform -0.25..0.25)
    table = jax.random.uniform(k2, (VOCAB, EMBED_DIM), dtype=jnp.float32, minval=-0.25, maxval=0.25)
    return {"input_ids": input_ids, "table": table}

def reference(input_ids, table):
    # Faithful to FastTextEmbedding.forward: a plain embedding lookup
    return jnp.take(table, input_ids, axis=0)

if __name__ == "__main__":
    import jax
    _d = setup_inputs()
    print(jax.jit(kernel)(*tuple(_d.values())))

</pallas_src>

<mosaic_0001>
#map = affine_map<(d0, d1) -> (0, 0)>
#map1 = affine_map<(d0, d1) -> (0, 0, 0)>
module attributes {stable_mosaic.version = 14 : i64} {
  func.func @gather_kernel(%arg0: i32, %arg1: i32, %arg2: memref<16384x200xi32, #tpu.memory_space<hbm>>, %arg3: memref<1000000x64xf32, #tpu.memory_space<hbm>>, %arg4: memref<16384x200x128xf32, #tpu.memory_space<hbm>>, %arg5: memref<4x200xi32, #tpu.memory_space<vmem>>, %arg6: memref<4x200xi32, #tpu.memory_space<vmem>>, %arg7: memref<4x200x64xf32, #tpu.memory_space<vmem>>, %arg8: memref<4x200x64xf32, #tpu.memory_space<vmem>>, %arg9: memref<!tpu.dma_semaphore, #tpu.memory_space<semaphore_mem>>, %arg10: memref<!tpu.dma_semaphore, #tpu.memory_space<semaphore_mem>>, %arg11: memref<!tpu.dma_semaphore, #tpu.memory_space<semaphore_mem>>, %arg12: memref<!tpu.dma_semaphore, #tpu.memory_space<semaphore_mem>>, %arg13: memref<!tpu.dma_semaphore, #tpu.memory_space<semaphore_mem>>, %arg14: memref<!tpu.dma_semaphore, #tpu.memory_space<semaphore_mem>>) attributes {dimension_semantics = [#tpu.dimension_semantics<core_parallel>, #tpu.dimension_semantics<subcore_parallel>], iteration_bounds = array<i64: 2, 16>, scalar_prefetch = 0 : i64, scratch_operands = 10 : i64, tpu.core_type = #tpu.core_type<sc_vector_subcore>, window_params = [{transform_indices = #map}, {transform_indices = #map}, {transform_indices = #map1}]} {
    %mul3A = arith.constant 2 : i32
    %mul3A_0 = arith.muli %arg1, %mul3A : i32
    %add3A = arith.addi %mul3A_0, %arg0 : i32
    %mul3A_1 = arith.constant 512 : i32
    %mul3A_2 = arith.muli %add3A, %mul3A_1 : i32
    %add3A_3 = arith.constant 0 : i32
    %add3A_4 = arith.addi %mul3A_2, %add3A_3 : i32
    %dma_start3A = arith.constant 0 : i32
    %dma_start3A_5 = tpu.memref_slice %arg2[%add3A_4, %dma_start3A] : memref<16384x200xi32, #tpu.memory_space<hbm>> -> memref<4x200xi32, #tpu.memory_space<hbm>>
    %dma_start3A_6 = arith.constant 0 : i32
    %dma_start3A_7 = tpu.memref_slice %arg2[%add3A_4, %dma_start3A_6] : memref<16384x200xi32, #tpu.memory_space<hbm>> -> memref<4x200xi32, #tpu.memory_space<hbm>>
    tpu.enqueue_dma source(%dma_start3A_7 : memref<4x200xi32, #tpu.memory_space<hbm>>) target(%arg5 : memref<4x200xi32, #tpu.memory_space<vmem>>) target_semaphore(%arg9 : memref<!tpu.dma_semaphore, #tpu.memory_space<semaphore_mem>>)
    %add3A_8 = arith.constant 4 : i32
    %add3A_9 = arith.addi %mul3A_2, %add3A_8 : i32
    %dma_start3A_10 = arith.constant 0 : i32
    %dma_start3A_11 = tpu.memref_slice %arg2[%add3A_9, %dma_start3A_10] : memref<16384x200xi32, #tpu.memory_space<hbm>> -> memref<4x200xi32, #tpu.memory_space<hbm>>
    %dma_start3A_12 = arith.constant 0 : i32
    %dma_start3A_13 = tpu.memref_slice %arg2[%add3A_9, %dma_start3A_12] : memref<16384x200xi32, #tpu.memory_space<hbm>> -> memref<4x200xi32, #tpu.memory_space<hbm>>
    tpu.enqueue_dma source(%dma_start3A_13 : memref<4x200xi32, #tpu.memory_space<hbm>>) target(%arg6 : memref<4x200xi32, #tpu.memory_space<vmem>>) target_semaphore(%arg10 : memref<!tpu.dma_semaphore, #tpu.memory_space<semaphore_mem>>)
    %scan3A = arith.constant 0 : i32
    %scan3A_14 = arith.constant 0 : i32
    %scan3A_15 = arith.constant 64 : i32
    %scan3A_16 = arith.addi %scan3A_14, %scan3A_15 : i32
    %scan3A_17 = arith.constant 1 : i32
    scf.for %scan3A_34 = %scan3A_14 to %scan3A_16 step %scan3A_17  : i32 {
      %mul3A_35 = arith.constant 2 : i32
      %mul3A_36 = arith.muli %scan3A_34, %mul3A_35 : i32
      %add3A_37 = arith.constant 0 : i32
      %add3A_38 = arith.addi %mul3A_36, %add3A_37 : i32
      %gt3A = arith.constant 0 : i32
      %gt3A_39 = arith.cmpi sgt, %scan3A_34, %gt3A : i32
      %convert_element_type3A = arith.extui %gt3A_39 : i1 to i32
      %cond3A = arith.constant 0 : i32
      %cond3A_40 = arith.cmpi ne, %convert_element_type3A, %cond3A : i32
      scf.if %cond3A_40 {
        %dma_wait3A_201 = arith.constant 0 : i32
        %dma_wait3A_202 = arith.constant 0 : i32
        %dma_wait3A_203 = arith.constant 0 : i32
        %dma_wait3A_204 = tpu.memref_slice %arg4[%dma_wait3A_201, %dma_wait3A_202, %dma_wait3A_203] : memref<16384x200x128xf32, #tpu.memory_space<hbm>> -> memref<4x200x64xf32, #tpu.memory_space<hbm>>
        %dma_wait3A_205 = arith.constant 0 : i32
        %dma_wait3A_206 = arith.constant 0 : i32
        %dma_wait3A_207 = arith.constant 0 : i32
        %dma_wait3A_208 = tpu.memref_slice %arg4[%dma_wait3A_205, %dma_wait3A_206, %dma_wait3A_207] : memref<16384x200x128xf32, #tpu.memory_space<hbm>> -> memref<4x200x64xf32, #tpu.memory_space<hbm>>
        tpu.wait_dma2 semaphore(%arg13 : memref<!tpu.dma_semaphore, #tpu.memory_space<semaphore_mem>>) src(%arg7 : memref<4x200x64xf32, #tpu.memory_space<vmem>>) dst(%dma_wait3A_208 : memref<4x200x64xf32, #tpu.memory_space<hbm>>)
      } else {
      }
      %dma_wait3A_41 = arith.constant 0 : i32
      %dma_wait3A_42 = arith.constant 0 : i32
      %dma_wait3A_43 = tpu.memref_slice %arg2[%dma_wait3A_41, %dma_wait3A_42] : memref<16384x200xi32, #tpu.memory_space<hbm>> -> memref<4x200xi32, #tpu.memory_space<hbm>>
      %dma_wait3A_44 = arith.constant 0 : i32
      %dma_wait3A_45 = arith.constant 0 : i32
      %dma_wait3A_46 = tpu.memref_slice %arg2[%dma_wait3A_44, %dma_wait3A_45] : memref<16384x200xi32, #tpu.memory_space<hbm>> -> memref<4x200xi32, #tpu.memory_space<hbm>>
      tpu.wait_dma2 semaphore(%arg9 : memref<!tpu.dma_semaphore, #tpu.memory_space<semaphore_mem>>) src(%dma_wait3A_46 : memref<4x200xi32, #tpu.memory_space<hbm>>) dst(%arg5 : memref<4x200xi32, #tpu.memory_space<vmem>>)
      %dma_start3A_47 = arith.constant 0 : i32
      %dma_start3A_48 = arith.constant 0 : i32
      %dma_start3A_49 = arith.constant 0 : i32
      %dma_start3A_50 = arith.constant 0 : i32
      %dma_start3A_51 = tpu.memref_slice %arg7[%dma_start3A_48, %dma_start3A_49, %dma_start3A_50] : memref<4x200x64xf32, #tpu.memory_space<vmem>> -> memref<1x200x64xf32, #tpu.memory_space<vmem>>
      %dma_start3A_52 = tpu.memref_squeeze %dma_start3A_51 : memref<1x200x64xf32, #tpu.memory_space<vmem>> -> memref<200x64xf32, #tpu.memory_space<vmem>>
      %dma_start3A_53 = arith.constant 0 : i32
      %dma_start3A_54 = tpu.memref_slice %arg5[%dma_start3A_47, %dma_start3A_53] : memref<4x200xi32, #tpu.memory_space<vmem>> -> memref<1x200xi32, #tpu.memory_space<vmem>>
      %dma_start3A_55 = tpu.memref_squeeze %dma_start3A_54 : memref<1x200xi32, #tpu.memory_space<vmem>> -> memref<200xi32, #tpu.memory_space<vmem>>
      %dma_start3A_56 = arith.constant 0 : i32
      %dma_start3A_57 = arith.constant 0 : i32
      %dma_start3A_58 = tpu.memref_slice %arg3[%dma_start3A_56, %dma_start3A_57] : memref<1000000x64xf32, #tpu.memory_space<hbm>> -> memref<1000000x64xf32, #tpu.memory_space<hbm>>
      tpu.enqueue_indirect_dma source(%dma_start3A_58 : memref<1000000x64xf32, #tpu.memory_space<hbm>>) target(%dma_start3A_52 : memref<200x64xf32, #tpu.memory_space<vmem>>) offsets(%dma_start3A_55 : memref<200xi32, #tpu.memory_space<vmem>>) semaphore(%arg11 : memref<!tpu.dma_semaphore, #tpu.memory_space<semaphore_mem>>)
      %dma_start3A_59 = arith.constant 1 : i32
      %dma_start3A_60 = arith.constant 1 : i32
      %dma_start3A_61 = arith.constant 0 : i32
      %dma_start3A_62 = arith.constant 0 : i32
      %dma_start3A_63 = tpu.memref_slice %arg7[%dma_start3A_60, %dma_start3A_61, %dma_start3A_62] : memref<4x200x64xf32, #tpu.memory_space<vmem>> -> memref<1x200x64xf32, #tpu.memory_space<vmem>>
      %dma_start3A_64 = tpu.memref_squeeze %dma_start3A_63 : memref<1x200x64xf32, #tpu.memory_space<vmem>> -> memref<200x64xf32, #tpu.memory_space<vmem>>
      %dma_start3A_65 = arith.constant 0 : i32
      %dma_start3A_66 = tpu.memref_slice %arg5[%dma_start3A_59, %dma_start3A_65] : memref<4x200xi32, #tpu.memory_space<vmem>> -> memref<1x200xi32, #tpu.memory_space<vmem>>
      %dma_start3A_67 = tpu.memref_squeeze %dma_start3A_66 : memref<1x200xi32, #tpu.memory_space<vmem>> -> memref<200xi32, #tpu.memory_space<vmem>>
      %dma_start3A_68 = arith.constant 0 : i32
      %dma_start3A_69 = arith.constant 0 : i32
      %dma_start3A_70 = tpu.memref_slice %arg3[%dma_start3A_68, %dma_start3A_69] : memref<1000000x64xf32, #tpu.memory_space<hbm>> -> memref<1000000x64xf32, #tpu.memory_space<hbm>>
      tpu.enqueue_indirect_dma source(%dma_start3A_70 : memref<1000000x64xf32, #tpu.memory_space<hbm>>) target(%dma_start3A_64 : memref<200x64xf32, #tpu.memory_space<vmem>>) offsets(%dma_start3A_67 : memref<200xi32, #tpu.memory_space<vmem>>) semaphore(%arg11 : memref<!tpu.dma_semaphore, #tpu.memory_space<semaphore_mem>>)
      %dma_start3A_71 = arith.constant 2 : i32
      %dma_start3A_72 = arith.constant 2 : i32
      %dma_start3A_73 = arith.constant 0 : i32
      %dma_start3A_74 = arith.constant 0 : i32
      %dma_start3A_75 = tpu.memref_slice %arg7[%dma_start3A_72, %dma_start3A_73, %dma_start3A_74] : memref<4x200x64xf32, #tpu.memory_space<vmem>> -> memref<1x200x64xf32, #tpu.memory_space<vmem>>
      %dma_start3A_76 = tpu.memref_squeeze %dma_start3A_75 : memref<1x200x64xf32, #tpu.memory_space<vmem>> -> memref<200x64xf32, #tpu.memory_space<vmem>>
      %dma_start3A_77 = arith.constant 0 : i32
      %dma_start3A_78 = tpu.memref_slice %arg5[%dma_start3A_71, %dma_start3A_77] : memref<4x200xi32, #tpu.memory_space<vmem>> -> memref<1x200xi32, #tpu.memory_space<vmem>>
      %dma_start3A_79 = tpu.memref_squeeze %dma_start3A_78 : memref<1x200xi32, #tpu.memory_space<vmem>> -> memref<200xi32, #tpu.memory_space<vmem>>
      %dma_start3A_80 = arith.constant 0 : i32
      %dma_start3A_81 = arith.constant 0 : i32
      %dma_start3A_82 = tpu.memref_slice %arg3[%dma_start3A_80, %dma_start3A_81] : memref<1000000x64xf32, #tpu.memory_space<hbm>> -> memref<1000000x64xf32, #tpu.memory_space<hbm>>
      tpu.enqueue_indirect_dma source(%dma_start3A_82 : memref<1000000x64xf32, #tpu.memory_space<hbm>>) target(%dma_start3A_76 : memref<200x64xf32, #tpu.memory_space<vmem>>) offsets(%dma_start3A_79 : memref<200xi32, #tpu.memory_space<vmem>>) semaphore(%arg11 : memref<!tpu.dma_semaphore, #tpu.memory_space<semaphore_mem>>)
      %dma_start3A_83 = arith.constant 3 : i32
      %dma_start3A_84 = arith.constant 3 : i32
      %dma_start3A_85 = arith.constant 0 : i32
      %dma_start3A_86 = arith.constant 0 : i32
      %dma_start3A_87 = tpu.memref_slice %arg7[%dma_start3A_84, %dma_start3A_85, %dma_start3A_86] : memref<4x200x64xf32, #tpu.memory_space<vmem>> -> memref<1x200x64xf32, #tpu.memory_space<vmem>>
      %dma_start3A_88 = tpu.memref_squeeze %dma_start3A_87 : memref<1x200x64xf32, #tpu.memory_space<vmem>> -> memref<200x64xf32, #tpu.memory_space<vmem>>
      %dma_start3A_89 = arith.constant 0 : i32
      %dma_start3A_90 = tpu.memref_slice %arg5[%dma_start3A_83, %dma_start3A_89] : memref<4x200xi32, #tpu.memory_space<vmem>> -> memref<1x200xi32, #tpu.memory_space<vmem>>
      %dma_start3A_91 = tpu.memref_squeeze %dma_start3A_90 : memref<1x200xi32, #tpu.memory_space<vmem>> -> memref<200xi32, #tpu.memory_space<vmem>>
      %dma_start3A_92 = arith.constant 0 : i32
      %dma_start3A_93 = arith.constant 0 : i32
      %dma_start3A_94 = tpu.memref_slice %arg3[%dma_start3A_92, %dma_start3A_93] : memref<1000000x64xf32, #tpu.memory_space<hbm>> -> memref<1000000x64xf32, #tpu.memory_space<hbm>>
      tpu.enqueue_indirect_dma source(%dma_start3A_94 : memref<1000000x64xf32, #tpu.memory_space<hbm>>) target(%dma_start3A_88 : memref<200x64xf32, #tpu.memory_space<vmem>>) offsets(%dma_start3A_91 : memref<200xi32, #tpu.memory_space<vmem>>) semaphore(%arg11 : memref<!tpu.dma_semaphore, #tpu.memory_space<semaphore_mem>>)
      %dma_wait3A_95 = arith.constant 0 : i32
      %dma_wait3A_96 = arith.constant 0 : i32
      %dma_wait3A_97 = arith.constant 0 : i32
      %dma_wait3A_98 = tpu.memref_slice %arg4[%dma_wait3A_95, %dma_wait3A_96, %dma_wait3A_97] : memref<16384x200x128xf32, #tpu.memory_space<hbm>> -> memref<4x200x128xf32, #tpu.memory_space<hbm>>
      %dma_wait3A_99 = arith.constant 0 : i32
      %dma_wait3A_100 = arith.constant 0 : i32
      %dma_wait3A_101 = arith.constant 0 : i32
      %dma_wait3A_102 = tpu.memref_slice %arg4[%dma_wait3A_99, %dma_wait3A_100, %dma_wait3A_101] : memref<16384x200x128xf32, #tpu.memory_space<hbm>> -> memref<4x200x128xf32, #tpu.memory_space<hbm>>
      tpu.wait_dma2 semaphore(%arg11 : memref<!tpu.dma_semaphore, #tpu.memory_space<semaphore_mem>>) src(%dma_wait3A_102 : memref<4x200x128xf32, #tpu.memory_space<hbm>>) dst(%arg7 : memref<4x200x64xf32, #tpu.memory_space<vmem>>)
      %mul3A_103 = arith.constant 4 : i32
      %mul3A_104 = arith.muli %add3A_38, %mul3A_103 : i32
      %add3A_105 = arith.addi %mul3A_2, %mul3A_104 : i32
      %dma_start3A_106 = arith.constant 0 : i32
      %dma_start3A_107 = arith.constant 0 : i32
      %dma_start3A_108 = tpu.memref_slice %arg4[%add3A_105, %dma_start3A_106, %dma_start3A_107] : memref<16384x200x128xf32, #tpu.memory_space<hbm>> -> memref<4x200x64xf32, #tpu.memory_space<hbm>>
      %dma_start3A_109 = arith.constant 0 : i32
      %dma_start3A_110 = arith.constant 0 : i32
      %dma_start3A_111 = tpu.memref_slice %arg4[%add3A_105, %dma_start3A_109, %dma_start3A_110] : memref<16384x200x128xf32, #tpu.memory_space<hbm>> -> memref<4x200x64xf32, #tpu.memory_space<hbm>>
      tpu.enqueue_dma source(%arg7 : memref<4x200x64xf32, #tpu.memory_space<vmem>>) target(%dma_start3A_111 : memref<4x200x64xf32, #tpu.memory_space<hbm>>) target_semaphore(%arg13 : memref<!tpu.dma_semaphore, #tpu.memory_space<semaphore_mem>>)
      %lt3A = arith.constant 63 : i32
      %lt3A_112 = arith.cmpi slt, %scan3A_34, %lt3A : i32
      %convert_element_type3A_113 = arith.extui %lt3A_112 : i1 to i32
      %cond3A_114 = arith.constant 0 : i32
      %cond3A_115 = arith.cmpi ne, %convert_element_type3A_113, %cond3A_114 : i32
      scf.if %cond3A_115 {
        %add3A_201 = arith.constant 2 : i32
        %add3A_202 = arith.addi %add3A_38, %add3A_201 : i32
        %mul3A_203 = arith.constant 4 : i32
        %mul3A_204 = arith.muli %add3A_202, %mul3A_203 : i32
        %add3A_205 = arith.addi %mul3A_2, %mul3A_204 : i32
        %dma_start3A_206 = arith.constant 0 : i32
        %dma_start3A_207 = tpu.memref_slice %arg2[%add3A_205, %dma_start3A_206] : memref<16384x200xi32, #tpu.memory_space<hbm>> -> memref<4x200xi32, #tpu.memory_space<hbm>>
        %dma_start3A_208 = arith.constant 0 : i32
        %dma_start3A_209 = tpu.memref_slice %arg2[%add3A_205, %dma_start3A_208] : memref<16384x200xi32, #tpu.memory_space<hbm>> -> memref<4x200xi32, #tpu.memory_space<hbm>>
        tpu.enqueue_dma source(%dma_start3A_209 : memref<4x200xi32, #tpu.memory_space<hbm>>) target(%arg5 : memref<4x200xi32, #tpu.memory_space<vmem>>) target_semaphore(%arg9 : memref<!tpu.dma_semaphore, #tpu.memory_space<semaphore_mem>>)
      } else {
      }
      %mul3A_116 = arith.constant 2 : i32
      %mul3A_117 = arith.muli %scan3A_34, %mul3A_116 : i32
      %add3A_118 = arith.constant 1 : i32
      %add3A_119 = arith.addi %mul3A_117, %add3A_118 : i32
      %gt3A_120 = arith.constant 0 : i32
      %gt3A_121 = arith.cmpi sgt, %scan3A_34, %gt3A_120 : i32
      %convert_element_type3A_122 = arith.extui %gt3A_121 : i1 to i32
      %cond3A_123 = arith.constant 0 : i32
      %cond3A_124 = arith.cmpi ne, %convert_element_type3A_122, %cond3A_123 : i32
      scf.if %cond3A_124 {
        %dma_wait3A_201 = arith.constant 0 : i32
        %dma_wait3A_202 = arith.constant 0 : i32
        %dma_wait3A_203 = arith.constant 0 : i32
        %dma_wait3A_204 = tpu.memref_slice %arg4[%dma_wait3A_201, %dma_wait3A_202, %dma_wait3A_203] : memref<16384x200x128xf32, #tpu.memory_space<hbm>> -> memref<4x200x64xf32, #tpu.memory_space<hbm>>
        %dma_wait3A_205 = arith.constant 0 : i32
        %dma_wait3A_206 = arith.constant 0 : i32
        %dma_wait3A_207 = arith.constant 0 : i32
        %dma_wait3A_208 = tpu.memref_slice %arg4[%dma_wait3A_205, %dma_wait3A_206, %dma_wait3A_207] : memref<16384x200x128xf32, #tpu.memory_space<hbm>> -> memref<4x200x64xf32, #tpu.memory_space<hbm>>
        tpu.wait_dma2 semaphore(%arg14 : memref<!tpu.dma_semaphore, #tpu.memory_space<semaphore_mem>>) src(%arg8 : memref<4x200x64xf32, #tpu.memory_space<vmem>>) dst(%dma_wait3A_208 : memref<4x200x64xf32, #tpu.memory_space<hbm>>)
      } else {
      }
      %dma_wait3A_125 = arith.constant 0 : i32
      %dma_wait3A_126 = arith.constant 0 : i32
      %dma_wait3A_127 = tpu.memref_slice %arg2[%dma_wait3A_125, %dma_wait3A_126] : memref<16384x200xi32, #tpu.memory_space<hbm>> -> memref<4x200xi32, #tpu.memory_space<hbm>>
      %dma_wait3A_128 = arith.constant 0 : i32
      %dma_wait3A_129 = arith.constant 0 : i32
      %dma_wait3A_130 = tpu.memref_slice %arg2[%dma_wait3A_128, %dma_wait3A_129] : memref<16384x200xi32, #tpu.memory_space<hbm>> -> memref<4x200xi32, #tpu.memory_space<hbm>>
      tpu.wait_dma2 semaphore(%arg10 : memref<!tpu.dma_semaphore, #tpu.memory_space<semaphore_mem>>) src(%dma_wait3A_130 : memref<4x200xi32, #tpu.memory_space<hbm>>) dst(%arg6 : memref<4x200xi32, #tpu.memory_space<vmem>>)
      %dma_start3A_131 = arith.constant 0 : i32
      %dma_start3A_132 = arith.constant 0 : i32
      %dma_start3A_133 = arith.constant 0 : i32
      %dma_start3A_134 = arith.constant 0 : i32
      %dma_start3A_135 = tpu.memref_slice %arg8[%dma_start3A_132, %dma_start3A_133, %dma_start3A_134] : memref<4x200x64xf32, #tpu.memory_space<vmem>> -> memref<1x200x64xf32, #tpu.memory_space<vmem>>
      %dma_start3A_136 = tpu.memref_squeeze %dma_start3A_135 : memref<1x200x64xf32, #tpu.memory_space<vmem>> -> memref<200x64xf32, #tpu.memory_space<vmem>>
      %dma_start3A_137 = arith.constant 0 : i32
      %dma_start3A_138 = tpu.memref_slice %arg6[%dma_start3A_131, %dma_start3A_137] : memref<4x200xi32, #tpu.memory_space<vmem>> -> memref<1x200xi32, #tpu.memory_space<vmem>>
      %dma_start3A_139 = tpu.memref_squeeze %dma_start3A_138 : memref<1x200xi32, #tpu.memory_space<vmem>> -> memref<200xi32, #tpu.memory_space<vmem>>
      %dma_start3A_140 = arith.constant 0 : i32
      %dma_start3A_141 = arith.constant 0 : i32
      %dma_start3A_142 = tpu.memref_slice %arg3[%dma_start3A_140, %dma_start3A_141] : memref<1000000x64xf32, #tpu.memory_space<hbm>> -> memref<1000000x64xf32, #tpu.memory_space<hbm>>
      tpu.enqueue_indirect_dma source(%dma_start3A_142 : memref<1000000x64xf32, #tpu.memory_space<hbm>>) target(%dma_start3A_136 : memref<200x64xf32, #tpu.memory_space<vmem>>) offsets(%dma_start3A_139 : memref<200xi32, #tpu.memory_space<vmem>>) semaphore(%arg12 : memref<!tpu.dma_semaphore, #tpu.memory_space<semaphore_mem>>)
      %dma_start3A_143 = arith.constant 1 : i32
      %dma_start3A_144 = arith.constant 1 : i32
      %dma_start3A_145 = arith.constant 0 : i32
      %dma_start3A_146 = arith.constant 0 : i32
      %dma_start3A_147 = tpu.memref_slice %arg8[%dma_start3A_144, %dma_start3A_145, %dma_start3A_146] : memref<4x200x64xf32, #tpu.memory_space<vmem>> -> memref<1x200x64xf32, #tpu.memory_space<vmem>>
      %dma_start3A_148 = tpu.memref_squeeze %dma_start3A_147 : memref<1x200x64xf32, #tpu.memory_space<vmem>> -> memref<200x64xf32, #tpu.memory_space<vmem>>
      %dma_start3A_149 = arith.constant 0 : i32
      %dma_start3A_150 = tpu.memref_slice %arg6[%dma_start3A_143, %dma_start3A_149] : memref<4x200xi32, #tpu.memory_space<vmem>> -> memref<1x200xi32, #tpu.memory_space<vmem>>
      %dma_start3A_151 = tpu.memref_squeeze %dma_start3A_150 : memref<1x200xi32, #tpu.memory_space<vmem>> -> memref<200xi32, #tpu.memory_space<vmem>>
      %dma_start3A_152 = arith.constant 0 : i32
      %dma_start3A_153 = arith.constant 0 : i32
      %dma_start3A_154 = tpu.memref_slice %arg3[%dma_start3A_152, %dma_start3A_153] : memref<1000000x64xf32, #tpu.memory_space<hbm>> -> memref<1000000x64xf32, #tpu.memory_space<hbm>>
      tpu.enqueue_indirect_dma source(%dma_start3A_154 : memref<1000000x64xf32, #tpu.memory_space<hbm>>) target(%dma_start3A_148 : memref<200x64xf32, #tpu.memory_space<vmem>>) offsets(%dma_start3A_151 : memref<200xi32, #tpu.memory_space<vmem>>) semaphore(%arg12 : memref<!tpu.dma_semaphore, #tpu.memory_space<semaphore_mem>>)
      %dma_start3A_155 = arith.constant 2 : i32
      %dma_start3A_156 = arith.constant 2 : i32
      %dma_start3A_157 = arith.constant 0 : i32
      %dma_start3A_158 = arith.constant 0 : i32
      %dma_start3A_159 = tpu.memref_slice %arg8[%dma_start3A_156, %dma_start3A_157, %dma_start3A_158] : memref<4x200x64xf32, #tpu.memory_space<vmem>> -> memref<1x200x64xf32, #tpu.memory_space<vmem>>
      %dma_start3A_160 = tpu.memref_squeeze %dma_start3A_159 : memref<1x200x64xf32, #tpu.memory_space<vmem>> -> memref<200x64xf32, #tpu.memory_space<vmem>>
      %dma_start3A_161 = arith.constant 0 : i32
      %dma_start3A_162 = tpu.memref_slice %arg6[%dma_start3A_155, %dma_start3A_161] : memref<4x200xi32, #tpu.memory_space<vmem>> -> memref<1x200xi32, #tpu.memory_space<vmem>>
      %dma_start3A_163 = tpu.memref_squeeze %dma_start3A_162 : memref<1x200xi32, #tpu.memory_space<vmem>> -> memref<200xi32, #tpu.memory_space<vmem>>
      %dma_start3A_164 = arith.constant 0 : i32
      %dma_start3A_165 = arith.constant 0 : i32
      %dma_start3A_166 = tpu.memref_slice %arg3[%dma_start3A_164, %dma_start3A_165] : memref<1000000x64xf32, #tpu.memory_space<hbm>> -> memref<1000000x64xf32, #tpu.memory_space<hbm>>
      tpu.enqueue_indirect_dma source(%dma_start3A_166 : memref<1000000x64xf32, #tpu.memory_space<hbm>>) target(%dma_start3A_160 : memref<200x64xf32, #tpu.memory_space<vmem>>) offsets(%dma_start3A_163 : memref<200xi32, #tpu.memory_space<vmem>>) semaphore(%arg12 : memref<!tpu.dma_semaphore, #tpu.memory_space<semaphore_mem>>)
      %dma_start3A_167 = arith.constant 3 : i32
      %dma_start3A_168 = arith.constant 3 : i32
      %dma_start3A_169 = arith.constant 0 : i32
      %dma_start3A_170 = arith.constant 0 : i32
      %dma_start3A_171 = tpu.memref_slice %arg8[%dma_start3A_168, %dma_start3A_169, %dma_start3A_170] : memref<4x200x64xf32, #tpu.memory_space<vmem>> -> memref<1x200x64xf32, #tpu.memory_space<vmem>>
      %dma_start3A_172 = tpu.memref_squeeze %dma_start3A_171 : memref<1x200x64xf32, #tpu.memory_space<vmem>> -> memref<200x64xf32, #tpu.memory_space<vmem>>
      %dma_start3A_173 = arith.constant 0 : i32
      %dma_start3A_174 = tpu.memref_slice %arg6[%dma_start3A_167, %dma_start3A_173] : memref<4x200xi32, #tpu.memory_space<vmem>> -> memref<1x200xi32, #tpu.memory_space<vmem>>
      %dma_start3A_175 = tpu.memref_squeeze %dma_start3A_174 : memref<1x200xi32, #tpu.memory_space<vmem>> -> memref<200xi32, #tpu.memory_space<vmem>>
      %dma_start3A_176 = arith.constant 0 : i32
      %dma_start3A_177 = arith.constant 0 : i32
      %dma_start3A_178 = tpu.memref_slice %arg3[%dma_start3A_176, %dma_start3A_177] : memref<1000000x64xf32, #tpu.memory_space<hbm>> -> memref<1000000x64xf32, #tpu.memory_space<hbm>>
      tpu.enqueue_indirect_dma source(%dma_start3A_178 : memref<1000000x64xf32, #tpu.memory_space<hbm>>) target(%dma_start3A_172 : memref<200x64xf32, #tpu.memory_space<vmem>>) offsets(%dma_start3A_175 : memref<200xi32, #tpu.memory_space<vmem>>) semaphore(%arg12 : memref<!tpu.dma_semaphore, #tpu.memory_space<semaphore_mem>>)
      %dma_wait3A_179 = arith.constant 0 : i32
      %dma_wait3A_180 = arith.constant 0 : i32
      %dma_wait3A_181 = arith.constant 0 : i32
      %dma_wait3A_182 = tpu.memref_slice %arg4[%dma_wait3A_179, %dma_wait3A_180, %dma_wait3A_181] : memref<16384x200x128xf32, #tpu.memory_space<hbm>> -> memref<4x200x128xf32, #tpu.memory_space<hbm>>
      %dma_wait3A_183 = arith.constant 0 : i32
      %dma_wait3A_184 = arith.constant 0 : i32
      %dma_wait3A_185 = arith.constant 0 : i32
      %dma_wait3A_186 = tpu.memref_slice %arg4[%dma_wait3A_183, %dma_wait3A_184, %dma_wait3A_185] : memref<16384x200x128xf32, #tpu.memory_space<hbm>> -> memref<4x200x128xf32, #tpu.memory_space<hbm>>
      tpu.wait_dma2 semaphore(%arg12 : memref<!tpu.dma_semaphore, #tpu.memory_space<semaphore_mem>>) src(%dma_wait3A_186 : memref<4x200x128xf32, #tpu.memory_space<hbm>>) dst(%arg8 : memref<4x200x64xf32, #tpu.memory_space<vmem>>)
      %mul3A_187 = arith.constant 4 : i32
      %mul3A_188 = arith.muli %add3A_119, %mul3A_187 : i32
      %add3A_189 = arith.addi %mul3A_2, %mul3A_188 : i32
      %dma_start3A_190 = arith.constant 0 : i32
      %dma_start3A_191 = arith.constant 0 : i32
      %dma_start3A_192 = tpu.memref_slice %arg4[%add3A_189, %dma_start3A_190, %dma_start3A_191] : memref<16384x200x128xf32, #tpu.memory_space<hbm>> -> memref<4x200x64xf32, #tpu.memory_space<hbm>>
      %dma_start3A_193 = arith.constant 0 : i32
      %dma_start3A_194 = arith.constant 0 : i32
      %dma_start3A_195 = tpu.memref_slice %arg4[%add3A_189, %dma_start3A_193, %dma_start3A_194] : memref<16384x200x128xf32, #tpu.memory_space<hbm>> -> memref<4x200x64xf32, #tpu.memory_space<hbm>>
      tpu.enqueue_dma source(%arg8 : memref<4x200x64xf32, #tpu.memory_space<vmem>>) target(%dma_start3A_195 : memref<4x200x64xf32, #tpu.memory_space<hbm>>) target_semaphore(%arg14 : memref<!tpu.dma_semaphore, #tpu.memory_space<semaphore_mem>>)
      %lt3A_196 = arith.constant 63 : i32
      %lt3A_197 = arith.cmpi slt, %scan3A_34, %lt3A_196 : i32
      %convert_element_type3A_198 = arith.extui %lt3A_197 : i1 to i32
      %cond3A_199 = arith.constant 0 : i32
      %cond3A_200 = arith.cmpi ne, %convert_element_type3A_198, %cond3A_199 : i32
      scf.if %cond3A_200 {
        %add3A_201 = arith.constant 2 : i32
        %add3A_202 = arith.addi %add3A_119, %add3A_201 : i32
        %mul3A_203 = arith.constant 4 : i32
        %mul3A_204 = arith.muli %add3A_202, %mul3A_203 : i32
        %add3A_205 = arith.addi %mul3A_2, %mul3A_204 : i32
        %dma_start3A_206 = arith.constant 0 : i32
        %dma_start3A_207 = tpu.memref_slice %arg2[%add3A_205, %dma_start3A_206] : memref<16384x200xi32, #tpu.memory_space<hbm>> -> memref<4x200xi32, #tpu.memory_space<hbm>>
        %dma_start3A_208 = arith.constant 0 : i32
        %dma_start3A_209 = tpu.memref_slice %arg2[%add3A_205, %dma_start3A_208] : memref<16384x200xi32, #tpu.memory_space<hbm>> -> memref<4x200xi32, #tpu.memory_space<hbm>>
        tpu.enqueue_dma source(%dma_start3A_209 : memref<4x200xi32, #tpu.memory_space<hbm>>) target(%arg6 : memref<4x200xi32, #tpu.memory_space<vmem>>) target_semaphore(%arg10 : memref<!tpu.dma_semaphore, #tpu.memory_space<semaphore_mem>>)
      } else {
      }
    }
    %scan3A_18 = arith.constant 64 : i32
    %dma_wait3A = arith.constant 0 : i32
    %dma_wait3A_19 = arith.constant 0 : i32
    %dma_wait3A_20 = arith.constant 0 : i32
    %dma_wait3A_21 = tpu.memref_slice %arg4[%dma_wait3A, %dma_wait3A_19, %dma_wait3A_20] : memref<16384x200x128xf32, #tpu.memory_space<hbm>> -> memref<4x200x64xf32, #tpu.memory_space<hbm>>
    %dma_wait3A_22 = arith.constant 0 : i32
    %dma_wait3A_23 = arith.constant 0 : i32
    %dma_wait3A_24 = arith.constant 0 : i32
    %dma_wait3A_25 = tpu.memref_slice %arg4[%dma_wait3A_22, %dma_wait3A_23, %dma_wait3A_24] : memref<16384x200x128xf32, #tpu.memory_space<hbm>> -> memref<4x200x64xf32, #tpu.memory_space<hbm>>
    tpu.wait_dma2 semaphore(%arg13 : memref<!tpu.dma_semaphore, #tpu.memory_space<semaphore_mem>>) src(%arg7 : memref<4x200x64xf32, #tpu.memory_space<vmem>>) dst(%dma_wait3A_25 : memref<4x200x64xf32, #tpu.memory_space<hbm>>)
    %dma_wait3A_26 = arith.constant 0 : i32
    %dma_wait3A_27 = arith.constant 0 : i32
    %dma_wait3A_28 = arith.constant 0 : i32
    %dma_wait3A_29 = tpu.memref_slice %arg4[%dma_wait3A_26, %dma_wait3A_27, %dma_wait3A_28] : memref<16384x200x128xf32, #tpu.memory_space<hbm>> -> memref<4x200x64xf32, #tpu.memory_space<hbm>>
    %dma_wait3A_30 = arith.constant 0 : i32
    %dma_wait3A_31 = arith.constant 0 : i32
    %dma_wait3A_32 = arith.constant 0 : i32
    %dma_wait3A_33 = tpu.memref_slice %arg4[%dma_wait3A_30, %dma_wait3A_31, %dma_wait3A_32] : memref<16384x200x128xf32, #tpu.memory_space<hbm>> -> memref<4x200x64xf32, #tpu.memory_space<hbm>>
    tpu.wait_dma2 semaphore(%arg14 : memref<!tpu.dma_semaphore, #tpu.memory_space<semaphore_mem>>) src(%arg8 : memref<4x200x64xf32, #tpu.memory_space<vmem>>) dst(%dma_wait3A_33 : memref<4x200x64xf32, #tpu.memory_space<hbm>>)
    return
  }
}

</mosaic_0001>

<sc_bundles>
// kernel: kernel.3.cloned.1.call-start
scs
__scs_entry_jumppad:
0x0: {  	(pc) =	sbr.rel $0x88, $3  }
0x1: {  	(tag) =	ssettag $0x0;
	lr =	simm.s32 $0x1  }
0x2: {  	[smem:$0x3F9F] =	sst lr;
	_ =	strace $0xD0000000  }
0x3: {  	_ = 	snop  }
0x4: {  	_ = 	snop  }
0x5: {  	_ = 	snop  }
0x6: {  	_ = 	snop  }
0x7: {  	_ = 	snop  }
__scs_overlays_trampoline_lowered:
0x8: {  	[smem:$0x3FAE] =	sst s0  }
0x9: {  	[smem:$0x3FAF] =	sst s1  }
0xa: {  	[smem:$0x3FB0] =	sst s2  }
0xb: {  	[smem:$0x3FB1] =	sst s3  }
0xc: {  	[smem:$0x3FB2] =	sst s4  }
0xd: {  	[smem:$0x3FB3] =	sst s5  }
0xe: {  	[smem:$0x3FB4] =	sst s6  }
0xf: {  	[smem:$0x3FB5] =	sst s7  }
0x10: {  	[smem:$0x3FB6] =	sst s8  }
0x11: {  	[smem:$0x3FB7] =	sst s9;
	s0 =	simm.s32 @!p0 $0x0  }
0x12: {  	s1 =	sld [smem:$0x3F9D];
	s0 =	simm.s32 @p0 $0x1  }
0x13: {  	[smem:$0x3FB8] =	sst s0;
	s0 =	simm.s32 @!p1 $0x0  }
0x14: {  	s2 =	sld [smem:$0x3F9C];
	s0 =	simm.s32 @p1 $0x1  }
0x15: {  	[smem:$0x3FB9] =	sst s0;
	s0 =	simm.s32 @!p2 $0x0  }
0x16: {  	s3 =	sld [smem:$0x3FDB];
	s0 =	simm.s32 @p2 $0x1  }
0x17: {  	s4 =	simm.s32 $0x1BF5;
	[smem:$0x3FBB] =	sst s0  }
0x18: {  	s0 =	sld [smem:$0x3F9E];
	_ =	swait.ge [sflag:s4], $0x0  }
0x19: {  	s7 =	sld [smem:$0x3F9F]  }
0x1a: {  	s8 =	sadd.s32 $0xFFFFE003, lr  }
0x1b: {  	s9 =	sadd.s32 $0xFFFFFEF7, lr;
	s5 =	simm.s32 $0xFFFFFFFF;
	p2 =	slt.u32 s8, $0xFFFFF086  }
0x1c: {  	p1 =	slt.u32 s9, $0xF7A;
	s5 =	simm.s32 @!p2 $0x0  }
0x1d: {  	s5 =	simm.s32 @p1 $0x1;
	p0 =	seq.s32 s7, s2  }
0x1e: {  	s7 =	smul.u32 @!p0 $0xF7A, s2;
	p2 =	seq.s32 @!p0 s5, $0x0  }
0x1f: {  	s9 =	smul.u32 $0xF7A, s1;
	s8 =	simm.s32 @!p0 $0x1BF5;
	p2 =	por !p2, p0  }
0x20: {  	[sflag:s8] =	ssyncset.s32 @!p0 $0xFFFFF086;
	s6 =	sadd.s32 @!p0 s3, s7;
	s7 =	simm.s32 @!p0 $0x108  }
0x21: {  	s3 =	sadd.s32 s3, s9;
	s6 =	sadd.s32 @!p0 $0x88, s6;
	s7 =	simm.s32 @p2 $0x1082  }
0x22: {  	[simem:s7], [sflag:s8] =	dma.local @!p0 [hbm:s6], $0xF7A  }
0x23: {  	s9 =	sor.u32 $0xD0000000, s2;
	s6 =	simm.s32 $0x108;
	_ =	swait.ge @!p0 [sflag:s8], $0x0  }
0x24: {  	s3 =	sadd.s32 $0x88, s3;
	s6 =	simm.s32 @!p1 $0x1082;
	[sflag:s4] =	ssyncset.s32 $0xFFFFF086  }
0x25: {  	[simem:s6], [sflag:s4] =	dma.local [hbm:s3], $0xF7A  }
0x26: {  	[smem:$0x3F9F] =	sst s1;
	(tag) =	ssettag s2;
	_ =	strace s9  }
0x27: {  	s1 =	sld [smem:$0x3FAF]  }
0x28: {  	s2 =	sld [smem:$0x3FB0]  }
0x29: {  	s4 =	sld [smem:$0x3FB2]  }
0x2a: {  	p0 =	seq.s32 s5, $0x0;
	s5 =	sld [smem:$0x3FB3]  }
0x2b: {  	s6 =	sld [smem:$0x3FB4]  }
0x2c: {  	s7 =	sld [smem:$0x3FB5]  }
0x2d: {  	s3 =	simm.s32 $0x108;
	s8 =	sld [smem:$0x3FB6]  }
0x2e: {  	s3 =	simm.s32 @!p0 $0x1082;
	s9 =	sld [smem:$0x3FB7]  }
0x2f: {  	lr =	sadd.s32 s0, s3;
	s0 =	sld [smem:$0x3FAE]  }
0x30: {  	s3 =	sld [smem:$0x3FB1]  }
0x31: {  	[smem:$0x3FBA] =	sst s10  }
0x32: {  	s10 =	sld [smem:$0x3FB8];
	_ =	sdelay $0x3  }
0x33: {  	p0 =	seq.s32 s10, $0x1;
	s10 =	sld [smem:$0x3FBA];
	_ =	sdelay $0x3  }
0x34: {  	[smem:$0x3FBA] =	sst s10  }
0x35: {  	s10 =	sld [smem:$0x3FB9];
	_ =	sdelay $0x3  }
0x36: {  	p1 =	seq.s32 s10, $0x1;
	s10 =	sld [smem:$0x3FBA];
	_ =	sdelay $0x3  }
0x37: {  	[smem:$0x3FBA] =	sst s10  }
0x38: {  	s10 =	sld [smem:$0x3FBB]  }
0x39: {  	_ = 	snop;
	(pc) =	sbr.ind lr, $3  }
0x3a: {  	_ = 	snop  }
0x3b: {  	_ = 	snop  }
0x3c: {  	p2 =	seq.s32 s10, $0x1;
	s10 =	sld [smem:$0x3FBA]  }
0x3d: {  	_ =	shalt  }
0x3e: {  	_ =	shalt  }
0x3f: {  	_ =	shalt  }
0x40: {  	_ =	shalt  }
0x41: {  	_ =	shalt  }
0x42: {  	_ =	shalt  }
0x43: {  	_ =	shalt  }
0x44: {  	_ =	shalt  }
0x45: {  	_ =	shalt  }
0x46: {  	_ =	shalt  }
0x47: {  	_ =	shalt  }
0x48: {  	_ =	shalt  }
0x49: {  	_ =	shalt  }
0x4a: {  	_ =	shalt  }
0x4b: {  	_ =	shalt  }
0x4c: {  	_ =	shalt  }
0x4d: {  	_ =	shalt  }
0x4e: {  	_ =	shalt  }
0x4f: {  	_ =	shalt  }
0x50: {  	_ =	shalt  }
0x51: {  	_ =	shalt  }
0x52: {  	_ =	shalt  }
0x53: {  	_ =	shalt  }
0x54: {  	_ =	shalt  }
0x55: {  	_ =	shalt  }
0x56: {  	_ =	shalt  }
0x57: {  	_ =	shalt  }
0x58: {  	_ =	shalt  }
0x59: {  	_ =	shalt  }
0x5a: {  	_ =	shalt  }
0x5b: {  	_ =	shalt  }
0x5c: {  	_ =	shalt  }
0x5d: {  	_ =	shalt  }
0x5e: {  	_ =	shalt  }
0x5f: {  	_ =	shalt  }
0x60: {  	_ =	shalt  }
0x61: {  	_ =	shalt  }
0x62: {  	_ =	shalt  }
0x63: {  	_ =	shalt  }
0x64: {  	_ =	shalt  }
0x65: {  	_ =	shalt  }
0x66: {  	_ =	shalt  }
0x67: {  	_ =	shalt  }
0x68: {  	_ =	shalt  }
0x69: {  	_ =	shalt  }
0x6a: {  	_ =	shalt  }
0x6b: {  	_ =	shalt  }
0x6c: {  	_ =	shalt  }
0x6d: {  	_ =	shalt  }
0x6e: {  	_ =	shalt  }
0x6f: {  	_ =	shalt  }
0x70: {  	_ =	shalt  }
0x71: {  	_ =	shalt  }
0x72: {  	_ =	shalt  }
0x73: {  	_ =	shalt  }
0x74: {  	_ =	shalt  }
0x75: {  	_ =	shalt  }
0x76: {  	_ =	shalt  }
0x77: {  	_ =	shalt  }
0x78: {  	_ =	shalt  }
0x79: {  	_ =	shalt  }
0x7a: {  	_ =	shalt  }
0x7b: {  	_ =	shalt  }
0x7c: {  	_ =	shalt  }
0x7d: {  	_ =	shalt  }
0x7e: {  	_ =	shalt  }
0x7f: {  	_ =	shalt  }
0x80: {  	_ =	shalt  }
0x81: {  	_ =	shalt  }
0x82: {  	_ =	shalt  }
0x83: {  	_ =	shalt  }
0x84: {  	_ =	shalt  }
0x85: {  	_ =	shalt  }
0x86: {  	_ =	shalt  }
0x87: {  	_ =	shalt  }
.Lfunc_end0:
.L_simem_size_0:
called_computation.1_lowered:
.L_overlay_start_0:
0x88: {  	s2 =	sld [smem:$0x3FD9]  }
0x89: {  	s3 =	sld [smem:$0x3FFE];
	_ =	sdelay $0x1  }
0x8a: {  	s1 =	srdreg.scid  }
0x8b: {  	s0 =	sand.u32 $0x1, s1  }
0x8c: {  	s16 =	sshll.u32 s0, $0xA;
	s2 =	sadd.s32 s3, s2  }
0x8d: {  	s2 =	sadd.s32 s2, s16  }
0x8e: {  	[smem:$0x3FC6] =	sst s2  }
0x8f: {  	_ = 	snop  }
0x90: {  	(tm) =	ssettm $0x1  }
0x91: {  	s17 =	sld [smem:$0x3FFB];
	_ =	sdelay $0x3  }
0x92: {  	_ =	strace s17  }
0x93: {  	s2 =	sld [smem:$0x3FFC];
	_ =	sdelay $0x3  }
0x94: {  	_ =	strace s2  }
0x95: {  	s2 =	sld [smem:$0x3FFD];
	_ =	sdelay $0x3  }
0x96: {  	_ =	strace s2  }
0x97: {  	_ =	strace $0x8FFFFFFF  }
0x98: {  	s18 =	sld [smem:$0x3FDB];
	_ =	sdelay $0x1  }
0x99: {  	s19 =	simm.s32 $_scs_section_size  }
0x9a: {  	s4 =	simm.s32 $_size__tile_overlayer_lowered;
	s5 =	simm.s32 $_tile_overlayer_lowered  }
0x9b: {  	s22 =	simm.s32 $0x1BFF;
	s21 =	sshll.u32 s5, $0x1;
	s2 =	sadd.s32 s19, s18  }
0x9c: {  	s6 =	simm.s32 $0x0;
	s20 =	sshll.u32 s4, $0x1;
	s4 =	sadd.s32 s21, s2  }
0x9d: {  	[timem:s6], [sflag:s22] =	dma.local [hbm:s4], s20  }
0x9e: {  	_ =	swait.ge [sflag:s22], s20  }
0x9f: {  	s3 =	ssub.s32 $0x0, s20;
	[sflag:s22] =	ssyncset.done $0x0  }
0xa0: {  	[sflag:s22] =	ssyncadd.s32 s3;
	_ =	sdelay $0x1  }
0xa1: {  	s23 =	simm.s32 $0x1B8B  }
0xa2: {  	_ =	swait.ge [sflag:s23], $0x1  }
0xa3: {  	[sflag:s23] =	ssyncset.done $0x0  }
0xa4: {  	s25 =	simm.s32 $0x1B8E;
	s24 =	sld [smem:$0x3FFE];
	[sflag:s23] =	ssyncadd.s32 $0xFFFFFFFF  }
0xa5: {  	s26 =	simm.s32 $execute0_lowered;
	[smem:$0x3FD2] =	sst s25  }
0xa6: {  	s4 =	sshll.u32 s26, $0x1;
	_ =	strace $0x80000046;
	[dreg:$0x1] =	wrdreg $0xFFFFFFFF  }
0xa7: {  	s28 =	simm.s32 $_size_execute0_lowered;
	s2 =	sadd.s32 s2, s4;
	[dreg:$0x0] =	wrdreg $0x0  }
0xa8: {  	s4 =	sshll.u32 s28, $0x1;
	[dreg:$0x2] =	wrdreg s2  }
0xa9: {  	[dreg:$0x3] =	wrdreg s4  }
0xaa: {  	[dreg:$0x4] =	wrdreg $0xC0  }
0xab: {  	_ =	task [dreg:s6], $0x5FFFF  }
0xac: {  	[dreg:$0x1] =	wrdreg $0xFFFFFFFF  }
0xad: {  	[dreg:$0x0] =	wrdreg $0x60  }
0xae: {  	[dreg:$0x2] =	wrdreg s24  }
0xaf: {  	[dreg:$0x3] =	wrdreg $0x9  }
0xb0: {  	_ =	task.clear_ibuf [dreg:s6], $0x4FFFF;
	_ =	strace $0x90000046  }
0xb1: {  	s29 =	simm.s32 $0x9;
	_ =	strace $0x80000048  }
0xb2: {  	_ =	swait.ge [sflag:s29], $0x1  }
0xb3: {  	[sflag:s29] =	ssyncadd.s32 $0xFFFFFFFF  }
0xb4: {  	_ =	strace $0x90000048  }
0xb5: {  	_ =	sfence  }
0xb6: {  	s30 =	sld [smem:$0x0];
	_ =	sdelay $0x2  }
0xb7: {  	s31 =	sshll.u32 s1, $0xD;
	s1 =	sshrl.u32 s1, $0x2  }
0xb8: {  	s3 =	sand.u32 $0x4000, s31;
	s1 =	sadd.s32 s1, s30  }
0xb9: {  	s0 =	sor.u32 s3, s0;
	s1 =	sshll.u32 s1, $0x11  }
0xba: {  	s0 =	sor.u32 s1, s0  }
0xbb: {  	s0 =	sadd.s32 $0x8F2B, s0  }
0xbc: {  	[sflag:s0] =	ssyncadd.remote.s32 $0x1  }
0xbd: {  	_ =	sfence.sel $0xFFFF  }
0xbe: {  	[dreg:$0x0] =	wrdreg $0xFFFFFFFF;
	(pc) =	sbr.abs _section_cstart, $3  }
0xbf: {  	[dreg:$0x1] =	wrdreg $0xFFFFFFFF  }
0xc0: {  	_ =	task.clear_ibuf [dreg:s6], $0x2FFFF;
	_ =	strace $0x9FFFFFFF  }
0xc1: {  	(tm) =	ssettm $0x7FFFFFFF  }
tec
execute0_lowered:
.L_overlay_start_1:
0x0: {  	(tag) =	ssettag $0x1  }
0x1: {  	s0 =	rddreg [dreg:$0x0];
	s1 =	srdreg.scid  }
0x2: {  	s11 =	stileid.u32;
	s2 =	simm.s32 $0x0;
	s13 =	simm.s32 $0x320  }
0x3: {  	s14 =	simm.s32 $0x1;
	s15 =	simm.s32 $0xC8;
	s16 =	simm.s32 $0x640  }
0x4: {  	s17 =	simm.s32 $0x3840;
	s18 =	simm.s32 $0x190;
	s19 =	simm.s32 $0x6A40  }
0x5: {  	s20 =	simm.s32 $0x258;
	s28 =	simm.s32 $0x3E8;
	s29 =	simm.s32 $0x10040  }
0x6: {  	s30 =	simm.s32 $0x4B0;
	s31 =	simm.s32 $0x13240;
	s1 =	sand.u32 $0x1, s1  }
0x7: {  	s3 =	sshll.u32 s11, $0xA;
	[smem:$0x7FF] =	sst s2;
	s21 =	smul.u32 $0x6400, s11  }
0x8: {  	s6 =	sadd.s32 $0x800, s0;
	s23 =	smul.u32 $0x320000, s11;
	s4 =	sshll.u32 s1, $0x9  }
0x9: {  	_ =	strace $0x80000047;
	s9 =	ssub.s32 $0x2, s1;
	s25 =	smul.u32 $0x190000, s1  }
0xa: {  	s1 =	smul.u32 $0x3200, s1;
	s4 =	sor.u32 s4, s3;
	s3 =	sadd.s32 $0x64800, s0  }
0xb: {  	s0 =	sadd.s32 $0x805A00, s0;
	s10 =	sshrl.u32 s9, $0x1;
	s5 =	smul.u32 $0x19, s4  }
0xc: {  	s7 =	sor.u32 $0x8, s4;
	s8 =	smul.u32 $0xC80, s4;
	s9 =	ssub.s32 s9, s10  }
0xd: {  	s4 =	sor.u32 $0xC, s4;
	s7 =	smul.u32 $0x19, s7;
	s9 =	smax.u32 s9, $0x1  }
0xe: {  	s4 =	smul.u32 $0x19, s4;
	s12 =	sadd.s32 s6, s5;
	[dreg:$0x4] =	wrdreg s9  }
0xf: {  	s24 =	sadd.s32 s0, s8;
	s0 =	sadd.s32 s23, s0;
	s5 =	sadd.s32 s21, s6  }
0x10: {  	s21 =	simm.s32 $0x9C40;
	s23 =	simm.s32 $0x40;
	s8 =	simm.s32 $0x0  }
0x11: {  	[dreg:$0x2] =	wrdreg s12;
	s22 =	sadd.s32 $0x64, s12;
	s7 =	sadd.s32 s6, s7  }
0x12: {  	[dreg:$0x5] =	wrdreg s24;
	s26 =	sadd.s32 $0x3200, s24;
	s0 =	sadd.s32 s25, s0  }
0x13: {  	s4 =	sadd.s32 s6, s4;
	s11 =	sadd.s32 s1, s5;
	[dreg:$0x3] =	wrdreg s22  }
.Ltmp0:
0x14: {  	s24 =	simm.s32 $0x80;
	[dreg:$0x6] =	wrdreg s7;
	(pc) =	sbr.rel .LBB2_1-.Ltmp0, $4  }
0x15: {  	s25 =	simm.s32 $0x2;
	s1 =	simm.s32 $0x16440;
	[dreg:$0x7] =	wrdreg s26  }
0x16: {  	s5 =	simm.s32 $0x4;
	s6 =	simm.s32 $0x6;
	[dreg:$0x8] =	wrdreg s4  }
0x17: {  	s0 =	sadd.s32 $0x6400, s0;
	s22 =	simm.s32 $0x3;
	s26 =	simm.s32 $0xCE40  }
0x18: {  	s4 =	simm.s32 $0x5;
	[dreg:$0x9] =	wrdreg s0;
	s0 =	simm.s32 $0x578  }
.LBB2_4:
0x19: {  	_ =	swait.ge [sflag:s4], $0xC800  }
0x1a: {  	[sflag:s4] =	ssyncset.done $0x0  }
0x1b: {  	[sflag:s4] =	ssyncadd.s32 $0xFFFF3800  }
0x1c: {  	_ =	swait.ge [sflag:s6], $0xC800  }
0x1d: {  	s8 =	sadd.s32 $0x1, s8;
	s7 =	rddreg [dreg:$0x4]  }
0x1e: {  	p0 =	sne.s32 s8, s7  }
.Ltmp1:
0x1f: {  	_ = 	snop;
	(pc) =	sbr.rel @!p0 .LBB2_5-.Ltmp1, $3  }
0x20: {  	_ =	sdelay $0x1  }
0x21: {  	[sflag:s6] =	ssyncset.done $0x0  }
0x22: {  	[sflag:s6] =	ssyncadd.s32 $0xFFFF3800  }
.LBB2_1:
0x23: {  	s7 =	rddreg [dreg:$0x2]  }
0x24: {  	[tilespmem:s2], [sflag:$0x1] =	stream.linear.gather [hbm4b:s7+s2], $0x320, $0x38;
	[tilespmem:$0x19640] =	vst v63  }
0x25: {  	s10 =	rddreg [dreg:$0x3]  }
0x26: {  	[tilespmem:s13], [sflag:$0x2] =	stream.linear.gather [hbm4b:s10+s2], $0x320, $0x38;
	[tilespmem:$0x19640] =	vst v63  }
0x27: {  	_ =	swait.ge [sflag:s14], $0x320  }
0x28: {  	[sflag:s14] =	ssyncset.done $0x0  }
0x29: {  	[sflag:s14] =	ssyncadd.s32 $0xFFFFFCE0  }
0x2a: {  	[tilespmem:s16], [sflag:$0x3] =	stream.indirect.gather [hbm4b:s3+s15], $0x40, s2, s15, $0xb8;
	[tilespmem:$0x19640] =	vst v63  }
0x2b: {  	_ = 	snop  }
0x2c: {  	[tilespmem:s17], [sflag:$0x3] =	stream.indirect.gather [hbm4b:s3+s15], $0x40, s15, s15, $0xb8;
	[tilespmem:$0x19640] =	vst v63  }
0x2d: {  	_ = 	snop  }
0x2e: {  	[tilespmem:s19], [sflag:$0x3] =	stream.indirect.gather [hbm4b:s3+s15], $0x40, s18, s15, $0xb8;
	[tilespmem:$0x19640] =	vst v63  }
0x2f: {  	_ = 	snop  }
0x30: {  	[tilespmem:s21], [sflag:$0x3] =	stream.indirect.gather [hbm4b:s3+s15], $0x40, s20, s15, $0xb8;
	[tilespmem:$0x19640] =	vst v63  }
0x31: {  	_ =	swait.ge [sflag:s22], $0xC800  }
0x32: {  	[sflag:s22] =	ssyncset.done $0x0  }
0x33: {  	s12 =	rddreg [dreg:$0x5];
	[sflag:s22] =	ssyncadd.s32 $0xFFFF3800  }
0x34: {  	[hbm4b:s12+s23] =	stream.strided.scatter [tilespmem:s16], [sflag:$0x5], $0xC800, s24, s23, $0x38;
	[tilespmem:$0x19640] =	vst v63  }
0x35: {  	s9 =	rddreg [dreg:$0x6]  }
0x36: {  	[tilespmem:s2], [sflag:$0x1] =	stream.linear.gather [hbm4b:s9+s2], $0x320, $0x38;
	[tilespmem:$0x19640] =	vst v63  }
0x37: {  	_ =	swait.ge [sflag:s25], $0x320  }
0x38: {  	[sflag:s25] =	ssyncset.done $0x0  }
0x39: {  	[sflag:s25] =	ssyncadd.s32 $0xFFFFFCE0  }
0x3a: {  	[tilespmem:s26], [sflag:$0x4] =	stream.indirect.gather [hbm4b:s3+s15], $0x40, s13, s15, $0xb8;
	[tilespmem:$0x19640] =	vst v63  }
0x3b: {  	_ = 	snop  }
0x3c: {  	[tilespmem:s29], [sflag:$0x4] =	stream.indirect.gather [hbm4b:s3+s15], $0x40, s28, s15, $0xb8;
	[tilespmem:$0x19640] =	vst v63  }
0x3d: {  	_ = 	snop  }
0x3e: {  	[tilespmem:s31], [sflag:$0x4] =	stream.indirect.gather [hbm4b:s3+s15], $0x40, s30, s15, $0xb8;
	[tilespmem:$0x19640] =	vst v63  }
0x3f: {  	_ = 	snop  }
0x40: {  	[tilespmem:s1], [sflag:$0x4] =	stream.indirect.gather [hbm4b:s3+s15], $0x40, s0, s15, $0xb8;
	[tilespmem:$0x19640] =	vst v63  }
0x41: {  	_ =	swait.ge [sflag:s5], $0xC800  }
0x42: {  	[sflag:s5] =	ssyncset.done $0x0  }
0x43: {  	s10 =	rddreg [dreg:$0x7];
	[sflag:s5] =	ssyncadd.s32 $0xFFFF3800  }
0x44: {  	[hbm4b:s10+s23] =	stream.strided.scatter [tilespmem:s26], [sflag:$0x6], $0xC800, s24, s23, $0x38;
	[tilespmem:$0x19640] =	vst v63  }
0x45: {  	s12 =	rddreg [dreg:$0x8]  }
0x46: {  	[tilespmem:s13], [sflag:$0x2] =	stream.linear.gather [hbm4b:s12+s2], $0x320, $0x38;
	[tilespmem:$0x19640] =	vst v63  }
0x47: {  	s9 =	simm.s32 $0x0;
	s12 =	rddreg [dreg:$0x9]  }
.LBB2_2:
0x48: {  	_ =	swait.ge [sflag:s4], $0xC800  }
0x49: {  	[sflag:s4] =	ssyncset.done $0x0  }
0x4a: {  	[sflag:s4] =	ssyncadd.s32 $0xFFFF3800  }
0x4b: {  	_ =	swait.ge [sflag:s14], $0x320  }
0x4c: {  	[sflag:s14] =	ssyncset.done $0x0  }
0x4d: {  	[sflag:s14] =	ssyncadd.s32 $0xFFFFFCE0  }
0x4e: {  	[tilespmem:s16], [sflag:$0x3] =	stream.indirect.gather [hbm4b:s3+s15], $0x40, s2, s15, $0xb8;
	[tilespmem:$0x19640] =	vst v63  }
0x4f: {  	_ = 	snop  }
0x50: {  	[tilespmem:s17], [sflag:$0x3] =	stream.indirect.gather [hbm4b:s3+s15], $0x40, s15, s15, $0xb8;
	[tilespmem:$0x19640] =	vst v63  }
0x51: {  	_ = 	snop  }
0x52: {  	[tilespmem:s19], [sflag:$0x3] =	stream.indirect.gather [hbm4b:s3+s15], $0x40, s18, s15, $0xb8;
	[tilespmem:$0x19640] =	vst v63  }
0x53: {  	_ = 	snop  }
0x54: {  	[tilespmem:s21], [sflag:$0x3] =	stream.indirect.gather [hbm4b:s3+s15], $0x40, s20, s15, $0xb8;
	[tilespmem:$0x19640] =	vst v63  }
0x55: {  	_ =	swait.ge [sflag:s22], $0xC800  }
0x56: {  	p0 =	seq.s32 s9, $0x3070;
	[sflag:s22] =	ssyncset.done $0x0  }
0x57: {  	s10 =	sadd.s32 @!p0 s9, s11;
	[sflag:s22] =	ssyncadd.s32 $0xFFFF3800  }
0x58: {  	[hbm4b:s12+s23] =	stream.strided.scatter [tilespmem:s16], [sflag:$0x5], $0xC800, s24, s23, $0x38;
	[tilespmem:$0x19640] =	vst v63  }
0x59: {  	s7 =	simm.s32 @!p0 $0x0;
	s10 =	sadd.s32 @!p0 $0x190, s10  }
0x5a: {  	[tilespmem:s7], [sflag:$0x1] =	stream.linear.gather @!p0 [hbm4b:s10+s7], $0x320, $0x38;
	[tilespmem:$0x19640] =	vst v63  }
0x5b: {  	_ =	swait.ge [sflag:s6], $0xC800  }
0x5c: {  	[sflag:s6] =	ssyncset.done $0x0  }
0x5d: {  	[sflag:s6] =	ssyncadd.s32 $0xFFFF3800  }
0x5e: {  	_ =	swait.ge [sflag:s25], $0x320  }
0x5f: {  	[sflag:s25] =	ssyncset.done $0x0  }
0x60: {  	[sflag:s25] =	ssyncadd.s32 $0xFFFFFCE0  }
0x61: {  	[tilespmem:s26], [sflag:$0x4] =	stream.indirect.gather [hbm4b:s3+s15], $0x40, s13, s15, $0xb8;
	[tilespmem:$0x19640] =	vst v63  }
0x62: {  	_ = 	snop  }
0x63: {  	[tilespmem:s29], [sflag:$0x4] =	stream.indirect.gather [hbm4b:s3+s15], $0x40, s28, s15, $0xb8;
	[tilespmem:$0x19640] =	vst v63  }
0x64: {  	_ = 	snop  }
0x65: {  	[tilespmem:s31], [sflag:$0x4] =	stream.indirect.gather [hbm4b:s3+s15], $0x40, s30, s15, $0xb8;
	[tilespmem:$0x19640] =	vst v63  }
0x66: {  	_ = 	snop  }
0x67: {  	[tilespmem:s1], [sflag:$0x4] =	stream.indirect.gather [hbm4b:s3+s15], $0x40, s0, s15, $0xb8;
	[tilespmem:$0x19640] =	vst v63  }
.Ltmp2:
0x68: {  	_ = 	snop;
	(pc) =	sbr.rel @p0 .LBB2_4-.Ltmp2, $4  }
0x69: {  	_ =	swait.ge [sflag:s5], $0xC800  }
0x6a: {  	[sflag:s5] =	ssyncset.done $0x0  }
0x6b: {  	s10 =	sadd.s32 $0x3200, s12;
	[sflag:s5] =	ssyncadd.s32 $0xFFFF3800  }
0x6c: {  	[hbm4b:s10+s23] =	stream.strided.scatter [tilespmem:s26], [sflag:$0x6], $0xC800, s24, s23, $0x38;
	[tilespmem:$0x19640] =	vst v63  }
.Ltmp3:
0x6d: {  	(pc) =	sbr.rel .LBB2_2-.Ltmp3, $4  }
0x6e: {  	_ = 	snop  }
0x6f: {  	s7 =	sadd.s32 s9, s11  }
0x70: {  	s9 =	sadd.s32 $0xC8, s9;
	s12 =	sadd.s32 $0x6400, s12;
	s7 =	sadd.s32 $0x1F4, s7  }
0x71: {  	[tilespmem:s13], [sflag:$0x2] =	stream.linear.gather [hbm4b:s7+s2], $0x320, $0x38;
	[tilespmem:$0x19640] =	vst v63  }
.LBB2_5:
0x72: {  	_ =	sfence.sel $0x180000  }
0x73: {  	[bflag:$0x0] =	sbarrier.arrive $0xFFFF  }
0x74: {  	_ =	strace $0x90000047  }
0x75: {  	s0 =	stileid.u32;
	[bflag:$0x2] =	sbarrier.arrive $0xFFFF  }
0x76: {  	p0 =	sne.s32 s0, $0x0;
	s0 =	rddreg [dreg:$0x1]  }
0x77: {  	s0 =	sadd.s32 @!p0 $0x100000, s0  }
0x78: {  	[sflag:s0] =	ssyncadd.tile.s32 @!p0 $0x1;
	_ =	shalt  }
.Lfunc_end2:
_tile_overlayer_lowered:
.L_overlay_start_2:
0x79: {  	(tag) =	ssettag $0x2  }
0x7a: {  	s0 =	rddreg [dreg:$0x0];
	s2 =	stileid.u32  }
0x7b: {  	s1 =	rddreg [dreg:$0x1];
	p0 =	sne.s32 s2, $0x0  }
0x7c: {  	s3 =	rddreg [dreg:$0x2];
	[bflag:$0x3] =	sbarrier.arrive $0xFFFF;
	s2 =	simm.s32 @!p0 $0x1C07  }
0x7d: {  	[timem:s3], [sflag:s2] =	dma.local @!p0 [hbm:s0], s1  }
0x7e: {  	s0 =	simm.s32 @!p0 $0x7  }
0x7f: {  	_ =	swait.ge @!p0 [sflag:s0], s1  }
0x80: {  	s1 =	ssub.s32 @!p0 $0x0, s1;
	[sflag:s0] =	ssyncset.done @!p0 $0x0  }
0x81: {  	[sflag:s0] =	ssyncadd.s32 @!p0 s1  }
0x82: {  	[bflag:$0x3] =	sbarrier.arrive $0xFFFF  }
0x83: {  	_ =	shalt  }

// kernel: sparse-core-data-format-call.cloned.1.call-start
scs
called_computation_lowered:
.L_overlay_start_0:
0x0: {  	s2 =	sld [smem:$0x3FD9]  }
0x1: {  	s3 =	sld [smem:$0x3FFE];
	_ =	sdelay $0x1  }
0x2: {  	s1 =	srdreg.scid  }
0x3: {  	s0 =	sand.u32 $0x1, s1  }
0x4: {  	s18 =	sshll.u32 s0, $0xA;
	s2 =	sadd.s32 s3, s2  }
0x5: {  	s2 =	sadd.s32 s2, s18  }
0x6: {  	[smem:$0x3FC6] =	sst s2  }
0x7: {  	_ = 	snop  }
0x8: {  	s2 =	sld [smem:$0x3FD0];
	(tm) =	ssettm $0x1  }
0x9: {  	s19 =	sld [smem:$0x3FFB];
	_ =	sdelay $0x3  }
0xa: {  	_ =	strace s19  }
0xb: {  	s3 =	sld [smem:$0x3FFC];
	_ =	sdelay $0x3  }
0xc: {  	_ =	strace s3  }
0xd: {  	s3 =	sld [smem:$0x3FFD];
	_ =	sdelay $0x3  }
0xe: {  	_ =	strace s3  }
0xf: {  	_ =	strace $0x8FFFFFFF  }
0x10: {  	s20 =	sld [smem:$0x3FDB];
	_ =	sdelay $0x1  }
0x11: {  	s4 =	simm.s32 $_scs_section_size  }
0x12: {  	s5 =	simm.s32 $_size__tile_overlayer_lowered;
	s6 =	simm.s32 $_tile_overlayer_lowered  }
0x13: {  	s23 =	simm.s32 $0x1BFF;
	s22 =	sshll.u32 s6, $0x1;
	s3 =	sadd.s32 s4, s20  }
0x14: {  	s7 =	simm.s32 $0x0;
	s21 =	sshll.u32 s5, $0x1;
	s5 =	sadd.s32 s22, s3  }
0x15: {  	[timem:s7], [sflag:s23] =	dma.local [hbm:s5], s21  }
0x16: {  	_ =	swait.ge [sflag:s23], s21  }
0x17: {  	s4 =	ssub.s32 $0x0, s21;
	[sflag:s23] =	ssyncset.done $0x0  }
0x18: {  	[sflag:s23] =	ssyncadd.s32 s4;
	_ =	sdelay $0x1  }
0x19: {  	s24 =	simm.s32 $0x1B8B  }
0x1a: {  	_ =	swait.ge [sflag:s24], $0x1  }
0x1b: {  	[sflag:s24] =	ssyncset.done $0x0  }
0x1c: {  	s26 =	simm.s32 $0x1B8E;
	s25 =	sld [smem:$0x3FFE];
	[sflag:s24] =	ssyncadd.s32 $0xFFFFFFFF  }
0x1d: {  	s27 =	simm.s32 $execute0_lowered;
	[smem:$0x3FD2] =	sst s26  }
0x1e: {  	s5 =	sshll.u32 s27, $0x1;
	_ =	strace $0x80000049;
	[dreg:$0x1] =	wrdreg $0xFFFFFFFF  }
0x1f: {  	s28 =	simm.s32 $_size_execute0_lowered;
	s3 =	sadd.s32 s3, s5;
	[dreg:$0x0] =	wrdreg $0x0  }
0x20: {  	s5 =	sshll.u32 s28, $0x1;
	[dreg:$0x2] =	wrdreg s3  }
0x21: {  	[dreg:$0x3] =	wrdreg s5  }
0x22: {  	[dreg:$0x4] =	wrdreg $0xC0  }
0x23: {  	_ =	task [dreg:s7], $0x5FFFF  }
0x24: {  	[dreg:$0x1] =	wrdreg $0xFFFFFFFF  }
0x25: {  	[dreg:$0x0] =	wrdreg $0x60  }
0x26: {  	[dreg:$0x2] =	wrdreg s25  }
0x27: {  	[dreg:$0x3] =	wrdreg s2  }
0x28: {  	[dreg:$0x4] =	wrdreg $0x9  }
0x29: {  	_ =	task.clear_ibuf [dreg:s7], $0x5FFFF;
	_ =	strace $0x90000049  }
0x2a: {  	s29 =	simm.s32 $0x9;
	_ =	strace $0x8000004B  }
0x2b: {  	_ =	swait.ge [sflag:s29], $0x1  }
0x2c: {  	[sflag:s29] =	ssyncadd.s32 $0xFFFFFFFF  }
0x2d: {  	_ =	strace $0x9000004B  }
0x2e: {  	_ =	sfence  }
0x2f: {  	s30 =	sld [smem:$0x0];
	_ =	sdelay $0x2  }
0x30: {  	s31 =	sshll.u32 s1, $0xD;
	s1 =	sshrl.u32 s1, $0x2  }
0x31: {  	s3 =	sand.u32 $0x4000, s31;
	s1 =	sadd.s32 s1, s30  }
0x32: {  	s0 =	sor.u32 s3, s0;
	s1 =	sshll.u32 s1, $0x11  }
0x33: {  	s0 =	sor.u32 s1, s0  }
0x34: {  	s0 =	sadd.s32 $0x8F2B, s0  }
0x35: {  	[sflag:s0] =	ssyncadd.remote.s32 $0x1  }
0x36: {  	_ =	sfence.sel $0xFFFF  }
0x37: {  	[dreg:$0x0] =	wrdreg $0xFFFFFFFF;
	(pc) =	sbr.abs _section_cstart, $3  }
0x38: {  	[dreg:$0x1] =	wrdreg $0xFFFFFFFF  }
0x39: {  	_ =	task.clear_ibuf [dreg:s7], $0x2FFFF;
	_ =	strace $0x9FFFFFFF  }
0x3a: {  	(tm) =	ssettm $0x7FFFFFFF  }
0x3b: {  	_ =	shalt  }
tec
execute0_lowered:
.L_overlay_start_1:
0x0: {  	(tag) =	ssettag $0x1  }
0x1: {  	s0 =	srdreg.scid  }
0x2: {  	s1 =	sshll.u32 s0, $0x4  }
0x3: {  	s0 =	stileid.u32;
	s1 =	sand.u32 $0x10, s1  }
0x4: {  	s1 =	sor.u32 s0, s1  }
0x5: {  	s6 =	rddreg [dreg:$0x0];
	s4 =	simm.s32 $0x1;
	s2 =	sshll.u32 s1, $0x7  }
0x6: {  	s7 =	simm.s32 $0x2;
	s12 =	simm.s32 $0x0;
	s1 =	ssub.s32 $0x4000, s2  }
0x7: {  	s8 =	simm.s32 $0x20000;
	s13 =	simm.s32 $0x0;
	s3 =	sand.u32 $0xF80, s1  }
0x8: {  	s9 =	simm.s32 $0x0;
	s5 =	sshrl.u32 s1, $0xC;
	p0 =	sne.s32 s3, $0x0  }
.Ltmp0:
0x9: {  	s1 =	rddreg [dreg:$0x2];
	s4 =	simm.s32 @!p0 $0x0;
	(pc) =	sbr.rel .LBB1_1-.Ltmp0, $4  }
0xa: {  	s11 =	simm.s32 $0x0;
	s3 =	rddreg [dreg:$0x1];
	s5 =	sadd.s32 s4, s5  }
0xb: {  	_ =	strace $0x8000004A;
	s4 =	simm.s32 $0x1;
	s5 =	smul.u32 $0xC8, s5  }
0xc: {  	s6 =	sadd.s32 $0x805A00, s6;
	s10 =	smov.u32 s2;
	[sflag:s4] =	ssyncpa.u1 $0x0  }
0xd: {  	p0 =	por $0x0, $0x0;
	[sflag:s7] =	ssyncpa.u1 $0x0;
	s7 =	sor.u32 $0x1, s5  }
.LBB1_4:
0xe: {  	s16 =	sshll.u32 s13, $0x3;
	s17 =	sand.u32 $0x78, s13  }
0xf: {  	s30 =	sand.u32 $0x1F800, s13;
	s12 =	sshll.u32 s12, $0x11;
	s16 =	sand.u32 $0x3C00, s16  }
0x10: {  	[tilespmem:s15+$0x810 ss:$0x81] =	vst.msk $0xffff, v2;
	s31 =	sand.u32 $0x7, s13;
	s16 =	sor.u32 s17, s16;
	s17 =	sadd.s32 s3, s30  }
0x11: {  	[tilespmem:s15+$0x1020 ss:$0x81] =	vst.msk $0xffff, v0;
	s13 =	sshll.u32 s31, $0x12;
	s12 =	sadd.s32 s12, s17;
	s16 =	sshrl.u32 s16, $0x3  }
0x12: {  	[tilespmem:s15+$0x0 ss:$0x81] =	vst.msk $0xffff, v1;
	s13 =	sor.u32 $0x400, s13;
	s12 =	sadd.s32 s16, s12  }
0x13: {  	[hbm4b:s12+s13] =	stream.strided.scatter [tilespmem:s14], [sflag:$0x2], $0x2000, s8, s13, $0x20;
	[tilespmem:$0x8080] =	vst v63  }
.LBB1_5:
0x14: {  	s14 =	sadd.s32 $0x1, s9  }
0x15: {  	s12 =	sadd.s32 $0x1000, s10;
	s16 =	smov.u32 s10;
	p2 =	sgt.s32 s14, $0xC7  }
0x16: {  	s16 =	smov.u32 @p2 s12  }
0x17: {  	s14 =	simm.s32 @p2 $0x0;
	p2 =	sgt.s32 s16, $0x3FFF  }
0x18: {  	s16 =	smov.u32 @p2 s2;
	p2 =	sne.s32 s11, s7  }
.Ltmp1:
0x19: {  	p1 =	slt.u32 s11, $0x2;
	(pc) =	sbr.rel @!p2 .LBB1_6-.Ltmp1, $4  }
0x1a: {  	s15 =	simm.s32 @!p1 $0x2  }
0x1b: {  	s13 =	smov.u32 s10;
	p0 =	por !p0, !p0;
	_ =	swait.ge @!p1 [sflag:s15], $0x2000  }
0x1c: {  	s12 =	smov.u32 s9;
	[sflag:s15] =	ssyncset.done @!p1 $0x0;
	s9 =	smov.u32 s14  }
0x1d: {  	s11 =	sadd.s32 $0x1, s11;
	[sflag:s15] =	ssyncadd.s32 @!p1 $0xFFFFE000;
	s10 =	smov.u32 s16  }
.LBB1_1:
0x1e: {  	p1 =	sge.u32 s11, s5  }
0x1f: {  	s14 =	sand.u32 @!p1 $0x1FFFFFF, s9  }
0x20: {  	s15 =	smulhi.u32 @!p1 $0x147AE15, s14;
	_ =	sdelay $0x1  }
0x21: {  	s15 =	smul.u32 @!p1 $0xC8, s15  }
0x22: {  	s16 =	sxor.u32 @!p1 $0xFFFFFFFF, s11;
	s17 =	smul.u32 @!p1 $0xC80, s10  }
0x23: {  	s31 =	sadd.s32 $0xFFFFFFFF, s11;
	s16 =	sshll.u32 @!p1 s16, $0xD;
	s14 =	ssub.s32 @!p1 s14, s15  }
0x24: {  	s15 =	sand.u32 @!p1 $0x2000, s16;
	s16 =	sadd.s32 @!p1 s6, s17;
	s14 =	sshll.u32 @!p1 s14, $0x4  }
0x25: {  	s17 =	simm.s32 @!p1 $0x6400;
	s14 =	sadd.s32 @!p1 s14, s16;
	s16 =	simm.s32 @!p1 $0x40  }
0x26: {  	[tilespmem:s15], [sflag:$0x1] =	stream.strided.gather @!p1 [hbm4b:s14+s16], $0x2000, s17, s16, $0x38;
	[tilespmem:$0x8080] =	vst v63  }
0x27: {  	p1 =	sge.u32 s31, s5  }
.Ltmp2:
0x28: {  	_ = 	snop;
	(pc) =	sbr.rel @p1 .LBB1_5-.Ltmp2, $1  }
0x29: {  	_ =	sdelay $0x3  }
0x2a: {  	s14 =	simm.s32 $0x1  }
0x2b: {  	_ =	swait.ge [sflag:s4], $0x2000;
	s14 =	simm.s32 @!p0 $0x0  }
0x2c: {  	[sflag:s4] =	ssyncset.done $0x0;
	s15 =	sshll.u32 s14, $0xD  }
0x2d: {  	[sflag:s4] =	ssyncadd.s32 $0xFFFFE000;
	s18 =	sor.u32 $0x20, s15  }
0x2e: {  	s14 =	smul.u32 $0x8100, s14;
	v3 =	vld [tilespmem:s18+$0x10]  }
0x2f: {  	s30 =	sand.u32 $0x1, s11;
	v2 =	vld [tilespmem:s18+$0xFFFFFFF0]  }
0x30: {  	s15 =	smul.u32 $0x8100, s30;
	s14 =	sshrl.u32 s14, $0x2;
	v0 =	vld [tilespmem:s18+$0x0]  }
0x31: {  	v1 =	vld [tilespmem:s18+$0xFFFFFFE0];
	s16 =	sor.u32 $0x4000, s14  }
0x32: {  	s31 =	sshrl.u32 s15, $0x2;
	s15 =	sadd.s32 $0x0, s16  }
0x33: {  	s17 =	simm.s32 $0x4;
	s18 =	sadd.s32 $0x40, s18;
	s14 =	sor.u32 $0x4000, s31;
	[tilespmem:s15+$0x1830 ss:$0x81] =	vst.msk $0xffff, v3  }
.LBB1_3:
0x34: {  	v3 =	vld [tilespmem:s18+$0x10];
	p1 =	sne.s32 s17, $0x1FC;
	[tilespmem:s15+$0x810 ss:$0x81] =	vst.msk $0xffff, v2;
	s19 =	smov.u32 s17;
	s17 =	sadd.s32 $0x4, s17  }
.Ltmp3:
0x35: {  	v2 =	vld [tilespmem:s18+$0xFFFFFFF0];
	[tilespmem:s15+$0x1020 ss:$0x81] =	vst.msk $0xffff, v0;
	(pc) =	sbr.rel @p1 .LBB1_3-.Ltmp3, $4  }
0x36: {  	v0 =	vld [tilespmem:s18+$0x0];
	[tilespmem:s15+$0x0 ss:$0x81] =	vst.msk $0xffff, v1  }
0x37: {  	s15 =	sshra.s32 s19, $0x2;
	v1 =	vld [tilespmem:s18+$0xFFFFFFE0]  }
0x38: {  	s15 =	sadd.s32 s15, s16  }
0x39: {  	s18 =	sadd.s32 $0x40, s18;
	[tilespmem:s15+$0x1830 ss:$0x81] =	vst.msk $0xffff, v3  }
.Ltmp4:
0x3a: {  	_ = 	snop;
	(pc) =	sbr.rel .LBB1_4-.Ltmp4, $1  }
0x3b: {  	_ =	sdelay $0x3  }
.LBB1_6:
0x3c: {  	_ =	sfence.sel $0x180000  }
0x3d: {  	s2 =	simm.s32 $0x1;
	[bflag:$0x0] =	sbarrier.arrive $0xFFFF  }
0x3e: {  	s31 =	simm.s32 $0x2;
	[sflag:s2] =	ssyncpa.u1 $0x1  }
0x3f: {  	[sflag:s31] =	ssyncpa.u1 $0x1  }
0x40: {  	p0 =	sne.s32 s0, $0x0;
	_ =	strace $0x9000004A  }
0x41: {  	s0 =	sadd.s32 @!p0 $0x100000, s1;
	[bflag:$0x2] =	sbarrier.arrive $0xFFFF  }
0x42: {  	[sflag:s0] =	ssyncadd.tile.s32 @!p0 $0x1;
	_ =	shalt  }
.Lfunc_end1:
_tile_overlayer_lowered:
.L_overlay_start_2:
0x43: {  	(tag) =	ssettag $0x2  }
0x44: {  	s0 =	rddreg [dreg:$0x0];
	s2 =	stileid.u32  }
0x45: {  	s1 =	rddreg [dreg:$0x1];
	p0 =	sne.s32 s2, $0x0  }
0x46: {  	s3 =	rddreg [dreg:$0x2];
	[bflag:$0x3] =	sbarrier.arrive $0xFFFF;
	s2 =	simm.s32 @!p0 $0x1C01  }
0x47: {  	[timem:s3], [sflag:s2] =	dma.local @!p0 [hbm:s0], s1  }
0x48: {  	s0 =	simm.s32 @!p0 $0x1  }
0x49: {  	_ =	swait.ge @!p0 [sflag:s0], s1  }
0x4a: {  	s1 =	ssub.s32 @!p0 $0x0, s1;
	[sflag:s0] =	ssyncset.done @!p0 $0x0  }
0x4b: {  	[sflag:s0] =	ssyncadd.s32 @!p0 s1  }
0x4c: {  	[bflag:$0x3] =	sbarrier.arrive $0xFFFF  }
0x4d: {  	_ =	shalt  }

</sc_bundles>
